<compile_context>
chip_gen: v7x
topology: tpu7x:2x2x1
jax: 0.10.2.dev20260603
libtpu: 0.0.44.dev20260713+nightly
codegen_flags: <defaults>
</compile_context>

<pallas_src>
import functools

import jax
import jax.numpy as jnp
from jax import lax
from jax.experimental import pallas as pl
from jax.experimental.pallas import tpu as pltpu
from jax.experimental.pallas import tpu_sc as plsc

_NW = 32
_SLAB = 3328
_NPAD = _NW * _SLAB
_GROUPS = _SLAB // 16
_HALF = _SLAB // 2
_BLK = 4096


def _route_body(ft_hbm, bt_hbm, out_hbm, f0_v, f1_v, bt_v, buf_v,
                sem1, sem2, sem3):
    wid = lax.axis_index("s") * 2 + lax.axis_index("c")
    base = wid * _SLAB
    in0 = pltpu.async_copy(ft_hbm.at[0, pl.ds(base, _SLAB)], f0_v, sem1)
    in1 = pltpu.async_copy(ft_hbm.at[1, pl.ds(base, _SLAB)], f1_v, sem2)
    in2 = pltpu.async_copy(bt_hbm.at[pl.ds(base, _SLAB)], bt_v, sem3)
    in0.wait()
    in1.wait()
    in2.wait()

    zero_f = jnp.zeros((16,), jnp.float32)
    one_f = jnp.ones((16,), jnp.float32)

    def group(k, carry):
        r = k * 16
        tv = bt_v[pl.ds(r, 16)]
        f0 = f0_v[pl.ds(r, 16)]
        f1 = f1_v[pl.ds(r, 16)]
        m1 = tv == 1
        m2 = tv == 2
        m3 = tv == 3
        buf_v[0, pl.ds(r, 16)] = jnp.where(m1, f0, zero_f)
        buf_v[1, pl.ds(r, 16)] = jnp.where(m1, f1, zero_f)
        buf_v[2, pl.ds(r, 16)] = jnp.where(m2, f0, zero_f)
        buf_v[3, pl.ds(r, 16)] = jnp.where(m2, f1, zero_f)
        buf_v[4, pl.ds(r, 16)] = jnp.where(m3, f0, zero_f)
        buf_v[5, pl.ds(r, 16)] = jnp.where(m3, f1, zero_f)
        buf_v[6, pl.ds(r, 16)] = jnp.where(m1, one_f, zero_f)
        buf_v[7, pl.ds(r, 16)] = jnp.where(m2, one_f, zero_f)
        buf_v[8, pl.ds(r, 16)] = jnp.where(m3, one_f, zero_f)
        return carry

    lax.fori_loop(0, _GROUPS // 2, group, 0)
    cp1 = pltpu.async_copy(
        buf_v.at[:, pl.ds(0, _HALF)],
        out_hbm.at[:, pl.ds(base, _HALF)], sem1)
    lax.fori_loop(_GROUPS // 2, _GROUPS, group, 0)
    cp2 = pltpu.async_copy(
        buf_v.at[:, pl.ds(_HALF, _HALF)],
        out_hbm.at[:, pl.ds(base + _HALF, _HALF)], sem2)
    cp1.wait()
    cp2.wait()


def _route(ft_pad, bt_pad):
    mesh = plsc.VectorSubcoreMesh(core_axis_name="c", subcore_axis_name="s")
    fn = functools.partial(
        pl.kernel,
        mesh=mesh,
        out_type=jax.ShapeDtypeStruct((9, _NPAD), jnp.float32),
        scratch_types=[
            pltpu.VMEM((_SLAB,), jnp.float32),
            pltpu.VMEM((_SLAB,), jnp.float32),
            pltpu.VMEM((_SLAB,), jnp.int32),
            pltpu.VMEM((9, _SLAB), jnp.float32),
            pltpu.SemaphoreType.DMA,
            pltpu.SemaphoreType.DMA,
            pltpu.SemaphoreType.DMA,
        ],
    )(_route_body)
    return fn(ft_pad, bt_pad)


def _dense_body(fc_ref, w_ref, out_ref):
    pre = lax.dot_general(
        fc_ref[...], w_ref[...],
        (((0,), (0,)), ((), ())),
        preferred_element_type=jnp.float32,
    )
    out_ref[...] = jnp.tanh(pre)


@jax.jit
def kernel(feat, btype, Ws, bs, Wg, bg, Wl, bl):
    n, _ = feat.shape
    d = Ws.shape[1]
    wcat = jnp.zeros((9, d), jnp.float32)
    wcat = wcat.at[0:2].set(Ws).at[2:4].set(Wg).at[4:6].set(Wl)
    wcat = wcat.at[6].set(bs).at[7].set(bg).at[8].set(bl)

    ft_pad = jnp.pad(feat.T, ((0, 0), (0, _NPAD - n)))
    bt_pad = jnp.pad(btype, (0, _NPAD - n))

    fct = _route(ft_pad, bt_pad)

    return pl.pallas_call(
        _dense_body,
        grid=((n + _BLK - 1) // _BLK,),
        in_specs=[
            pl.BlockSpec((9, _BLK), lambda i: (0, i)),
            pl.BlockSpec((9, d), lambda i: (0, 0)),
        ],
        out_specs=pl.BlockSpec((_BLK, d), lambda i: (i, 0)),
        out_shape=jax.ShapeDtypeStruct((n, d), jnp.float32),
    )(fct, wcat)

# --- scband reference (transcript-rebuilt; emitter-appended) ---
"""Pipeline reference for scband-bus-embedding-70652212019845 (READ-ONLY COPY).

The authoritative reference and input builder live on the scoring server;
editing this copy changes nothing except your own understanding.
"""

import jax, jax.numpy as jnp
import numpy as np

N = 100000
D = 512

def _linear_params(key, fan_in, fan_out):
    # torch nn.Linear default init: U(-1/sqrt(fan_in), 1/sqrt(fan_in))
    k1, k2 = jax.random.split(key)
    bound = 1.0 / np.sqrt(fan_in)
    W = jax.random.uniform(k1, (fan_in, fan_out), minval=-bound, maxval=bound, dtype=jnp.float32)
    b = jax.random.uniform(k2, (fan_out,), minval=-bound, maxval=bound, dtype=jnp.float32)
    return W, b

def setup_inputs(seed: int = 0) -> dict:
    key = jax.random.key(seed)
    ks = jax.random.split(key, 5)
    feat = jax.random.normal(ks[0], (N, 2), dtype=jnp.float32)
    btype = jax.random.randint(ks[1], (N,), 0, 4, dtype=jnp.int32)
    Ws, bs = _linear_params(ks[2], 2, D)
    Wg, bg = _linear_params(ks[3], 2, D)
    Wl, bl = _linear_params(ks[4], 2, D)
    return {"feat": feat, "btype": btype, "Ws": Ws, "bs": bs, "Wg": Wg, "bg": bg, "Wl": Wl, "bl": bl}

def reference(feat, btype, Ws, bs, Wg, bg, Wl, bl):
    # Per-bus-type expert MLP: out rows selected by btype, others remain zero.
    # Dense-compute-then-mask is mathematically identical to torch's boolean
    # scatter since tanh(linear(.)) is applied row-wise and masks are disjoint.
    s = jnp.tanh(feat @ Ws + bs)
    g = jnp.tanh(feat @ Wg + bg)
    l = jnp.tanh(feat @ Wl + bl)
    m1 = (btype == 1)[:, None]
    m2 = (btype == 2)[:, None]
    m3 = (btype == 3)[:, None]
    zero = jnp.zeros((), dtype=jnp.float32)
    out = jnp.where(m1, s, zero) + jnp.where(m2, g, zero) + jnp.where(m3, l, zero)
    return out

if __name__ == "__main__":
    import jax
    _d = setup_inputs()
    print(jax.jit(kernel)(*tuple(_d.values())))

</pallas_src>

<mosaic_0001>
#map = affine_map<(d0, d1) -> (0, 0)>
#map1 = affine_map<(d0, d1) -> (0)>
module attributes {stable_mosaic.version = 14 : i64} {
  func.func @_route_body(%arg0: i32, %arg1: i32, %arg2: memref<2x106496xf32, #tpu.memory_space<hbm>>, %arg3: memref<106496xi32, #tpu.memory_space<hbm>>, %arg4: memref<9x106496xf32, #tpu.memory_space<hbm>>, %arg5: memref<3328xf32, #tpu.memory_space<vmem>>, %arg6: memref<3328xf32, #tpu.memory_space<vmem>>, %arg7: memref<3328xi32, #tpu.memory_space<vmem>>, %arg8: memref<9x3328xf32, #tpu.memory_space<vmem>>, %arg9: memref<!tpu.dma_semaphore, #tpu.memory_space<semaphore_mem>>, %arg10: memref<!tpu.dma_semaphore, #tpu.memory_space<semaphore_mem>>, %arg11: memref<!tpu.dma_semaphore, #tpu.memory_space<semaphore_mem>>) attributes {dimension_semantics = [#tpu.dimension_semantics<core_parallel>, #tpu.dimension_semantics<subcore_parallel>], iteration_bounds = array<i64: 2, 16>, scalar_prefetch = 0 : i64, scratch_operands = 7 : i64, tpu.core_type = #tpu.core_type<sc_vector_subcore>, window_params = [{transform_indices = #map}, {transform_indices = #map1}, {transform_indices = #map}]} {
    %mul3A = arith.constant 2 : i32
    %mul3A_0 = arith.muli %arg1, %mul3A : i32
    %add3A = arith.addi %mul3A_0, %arg0 : i32
    %mul3A_1 = arith.constant 3328 : i32
    %mul3A_2 = arith.muli %add3A, %mul3A_1 : i32
    %dma_start3A = arith.constant 0 : i32
    %dma_start3A_3 = tpu.memref_slice %arg2[%dma_start3A, %mul3A_2] : memref<2x106496xf32, #tpu.memory_space<hbm>> -> memref<1x3328xf32, #tpu.memory_space<hbm>>
    %dma_start3A_4 = tpu.memref_squeeze %dma_start3A_3 : memref<1x3328xf32, #tpu.memory_space<hbm>> -> memref<3328xf32, #tpu.memory_space<hbm>>
    %dma_start3A_5 = tpu.memref_slice %arg2[%dma_start3A, %mul3A_2] : memref<2x106496xf32, #tpu.memory_space<hbm>> -> memref<1x3328xf32, #tpu.memory_space<hbm>>
    %dma_start3A_6 = tpu.memref_squeeze %dma_start3A_5 : memref<1x3328xf32, #tpu.memory_space<hbm>> -> memref<3328xf32, #tpu.memory_space<hbm>>
    tpu.enqueue_dma source(%dma_start3A_6 : memref<3328xf32, #tpu.memory_space<hbm>>) target(%arg5 : memref<3328xf32, #tpu.memory_space<vmem>>) target_semaphore(%arg9 : memref<!tpu.dma_semaphore, #tpu.memory_space<semaphore_mem>>)
    %dma_start3A_7 = arith.constant 1 : i32
    %dma_start3A_8 = tpu.memref_slice %arg2[%dma_start3A_7, %mul3A_2] : memref<2x106496xf32, #tpu.memory_space<hbm>> -> memref<1x3328xf32, #tpu.memory_space<hbm>>
    %dma_start3A_9 = tpu.memref_squeeze %dma_start3A_8 : memref<1x3328xf32, #tpu.memory_space<hbm>> -> memref<3328xf32, #tpu.memory_space<hbm>>
    %dma_start3A_10 = tpu.memref_slice %arg2[%dma_start3A_7, %mul3A_2] : memref<2x106496xf32, #tpu.memory_space<hbm>> -> memref<1x3328xf32, #tpu.memory_space<hbm>>
    %dma_start3A_11 = tpu.memref_squeeze %dma_start3A_10 : memref<1x3328xf32, #tpu.memory_space<hbm>> -> memref<3328xf32, #tpu.memory_space<hbm>>
    tpu.enqueue_dma source(%dma_start3A_11 : memref<3328xf32, #tpu.memory_space<hbm>>) target(%arg6 : memref<3328xf32, #tpu.memory_space<vmem>>) target_semaphore(%arg10 : memref<!tpu.dma_semaphore, #tpu.memory_space<semaphore_mem>>)
    %dma_start3A_12 = tpu.memref_slice %arg3[%mul3A_2] : memref<106496xi32, #tpu.memory_space<hbm>> -> memref<3328xi32, #tpu.memory_space<hbm>>
    %dma_start3A_13 = tpu.memref_slice %arg3[%mul3A_2] : memref<106496xi32, #tpu.memory_space<hbm>> -> memref<3328xi32, #tpu.memory_space<hbm>>
    tpu.enqueue_dma source(%dma_start3A_13 : memref<3328xi32, #tpu.memory_space<hbm>>) target(%arg7 : memref<3328xi32, #tpu.memory_space<vmem>>) target_semaphore(%arg11 : memref<!tpu.dma_semaphore, #tpu.memory_space<semaphore_mem>>)
    %dma_wait3A = arith.constant 0 : i32
    %dma_wait3A_14 = tpu.memref_slice %arg2[%dma_wait3A, %mul3A_2] : memref<2x106496xf32, #tpu.memory_space<hbm>> -> memref<1x3328xf32, #tpu.memory_space<hbm>>
    %dma_wait3A_15 = tpu.memref_squeeze %dma_wait3A_14 : memref<1x3328xf32, #tpu.memory_space<hbm>> -> memref<3328xf32, #tpu.memory_space<hbm>>
    %dma_wait3A_16 = tpu.memref_slice %arg2[%dma_wait3A, %mul3A_2] : memref<2x106496xf32, #tpu.memory_space<hbm>> -> memref<1x3328xf32, #tpu.memory_space<hbm>>
    %dma_wait3A_17 = tpu.memref_squeeze %dma_wait3A_16 : memref<1x3328xf32, #tpu.memory_space<hbm>> -> memref<3328xf32, #tpu.memory_space<hbm>>
    tpu.wait_dma2 semaphore(%arg9 : memref<!tpu.dma_semaphore, #tpu.memory_space<semaphore_mem>>) src(%dma_wait3A_17 : memref<3328xf32, #tpu.memory_space<hbm>>) dst(%arg5 : memref<3328xf32, #tpu.memory_space<vmem>>)
    %dma_wait3A_18 = arith.constant 1 : i32
    %dma_wait3A_19 = tpu.memref_slice %arg2[%dma_wait3A_18, %mul3A_2] : memref<2x106496xf32, #tpu.memory_space<hbm>> -> memref<1x3328xf32, #tpu.memory_space<hbm>>
    %dma_wait3A_20 = tpu.memref_squeeze %dma_wait3A_19 : memref<1x3328xf32, #tpu.memory_space<hbm>> -> memref<3328xf32, #tpu.memory_space<hbm>>
    %dma_wait3A_21 = tpu.memref_slice %arg2[%dma_wait3A_18, %mul3A_2] : memref<2x106496xf32, #tpu.memory_space<hbm>> -> memref<1x3328xf32, #tpu.memory_space<hbm>>
    %dma_wait3A_22 = tpu.memref_squeeze %dma_wait3A_21 : memref<1x3328xf32, #tpu.memory_space<hbm>> -> memref<3328xf32, #tpu.memory_space<hbm>>
    tpu.wait_dma2 semaphore(%arg10 : memref<!tpu.dma_semaphore, #tpu.memory_space<semaphore_mem>>) src(%dma_wait3A_22 : memref<3328xf32, #tpu.memory_space<hbm>>) dst(%arg6 : memref<3328xf32, #tpu.memory_space<vmem>>)
    %dma_wait3A_23 = tpu.memref_slice %arg3[%mul3A_2] : memref<106496xi32, #tpu.memory_space<hbm>> -> memref<3328xi32, #tpu.memory_space<hbm>>
    %dma_wait3A_24 = tpu.memref_slice %arg3[%mul3A_2] : memref<106496xi32, #tpu.memory_space<hbm>> -> memref<3328xi32, #tpu.memory_space<hbm>>
    tpu.wait_dma2 semaphore(%arg11 : memref<!tpu.dma_semaphore, #tpu.memory_space<semaphore_mem>>) src(%dma_wait3A_24 : memref<3328xi32, #tpu.memory_space<hbm>>) dst(%arg7 : memref<3328xi32, #tpu.memory_space<vmem>>)
    %broadcast_in_dim3A = arith.constant 0.000000e+00 : f32
    %broadcast_in_dim3A_25 = vector.broadcast %broadcast_in_dim3A : f32 to vector<16xf32>
    %broadcast_in_dim3A_26 = arith.constant 1.000000e+00 : f32
    %broadcast_in_dim3A_27 = vector.broadcast %broadcast_in_dim3A_26 : f32 to vector<16xf32>
    %scan3A = arith.constant 0 : i32
    %scan3A_28 = arith.constant 0 : i32
    %scan3A_29 = arith.constant 104 : i32
    %scan3A_30 = arith.addi %scan3A_28, %scan3A_29 : i32
    %scan3A_31 = arith.constant 1 : i32
    scf.for %scan3A_81 = %scan3A_28 to %scan3A_30 step %scan3A_31  : i32 {
      %mul3A_82 = arith.constant 16 : i32
      %mul3A_83 = arith.muli %scan3A_81, %mul3A_82 : i32
      %get3A = arith.index_cast %mul3A_83 : i32 to index
      %get3A_84 = tpu.vector_load %arg7[%get3A] {strides = array<i32>} : memref<3328xi32, #tpu.memory_space<vmem>>, vector<16xi32>,
      %get3A_85 = vector.shape_cast %get3A_84 : vector<16xi32> to vector<16xi32>
      %get3A_86 = arith.index_cast %mul3A_83 : i32 to index
      %get3A_87 = tpu.vector_load %arg5[%get3A_86] {strides = array<i32>} : memref<3328xf32, #tpu.memory_space<vmem>>, vector<16xf32>,
      %get3A_88 = vector.shape_cast %get3A_87 : vector<16xf32> to vector<16xf32>
      %get3A_89 = arith.index_cast %mul3A_83 : i32 to index
      %get3A_90 = tpu.vector_load %arg6[%get3A_89] {strides = array<i32>} : memref<3328xf32, #tpu.memory_space<vmem>>, vector<16xf32>,
      %get3A_91 = vector.shape_cast %get3A_90 : vector<16xf32> to vector<16xf32>
      %eq3A = arith.constant 1 : i32
      %eq3A_92 = vector.broadcast %eq3A : i32 to vector<16xi32>
      %eq3A_93 = arith.cmpi eq, %get3A_85, %eq3A_92 : vector<16xi32>
      %eq3A_94 = arith.constant 2 : i32
      %eq3A_95 = vector.broadcast %eq3A_94 : i32 to vector<16xi32>
      %eq3A_96 = arith.cmpi eq, %get3A_85, %eq3A_95 : vector<16xi32>
      %eq3A_97 = arith.constant 3 : i32
      %eq3A_98 = vector.broadcast %eq3A_97 : i32 to vector<16xi32>
      %eq3A_99 = arith.cmpi eq, %get3A_85, %eq3A_98 : vector<16xi32>
      %select_n3A = arith.select %eq3A_93, %get3A_88, %broadcast_in_dim3A_25 : vector<16xi1>, vector<16xf32>
      %swap3A = arith.constant 0 : i32
      %swap3A_100 = arith.index_cast %swap3A : i32 to index
      %swap3A_101 = arith.index_cast %mul3A_83 : i32 to index
      %swap3A_102 = tpu.vector_load %arg8[%swap3A_100, %swap3A_101] {strides = array<i32>} : memref<9x3328xf32, #tpu.memory_space<vmem>>, vector<1x16xf32>,
      %swap3A_103 = vector.shape_cast %swap3A_102 : vector<1x16xf32> to vector<16xf32>
      %swap3A_104 = vector.shape_cast %select_n3A : vector<16xf32> to vector<1x16xf32>
      tpu.vector_store %arg8[%swap3A_100, %swap3A_101], %swap3A_104 {strides = array<i32>} : memref<9x3328xf32, #tpu.memory_space<vmem>>, vector<1x16xf32>,
      %select_n3A_105 = arith.select %eq3A_93, %get3A_91, %broadcast_in_dim3A_25 : vector<16xi1>, vector<16xf32>
      %swap3A_106 = arith.constant 1 : i32
      %swap3A_107 = arith.index_cast %swap3A_106 : i32 to index
      %swap3A_108 = arith.index_cast %mul3A_83 : i32 to index
      %swap3A_109 = tpu.vector_load %arg8[%swap3A_107, %swap3A_108] {strides = array<i32>} : memref<9x3328xf32, #tpu.memory_space<vmem>>, vector<1x16xf32>,
      %swap3A_110 = vector.shape_cast %swap3A_109 : vector<1x16xf32> to vector<16xf32>
      %swap3A_111 = vector.shape_cast %select_n3A_105 : vector<16xf32> to vector<1x16xf32>
      tpu.vector_store %arg8[%swap3A_107, %swap3A_108], %swap3A_111 {strides = array<i32>} : memref<9x3328xf32, #tpu.memory_space<vmem>>, vector<1x16xf32>,
      %select_n3A_112 = arith.select %eq3A_96, %get3A_88, %broadcast_in_dim3A_25 : vector<16xi1>, vector<16xf32>
      %swap3A_113 = arith.constant 2 : i32
      %swap3A_114 = arith.index_cast %swap3A_113 : i32 to index
      %swap3A_115 = arith.index_cast %mul3A_83 : i32 to index
      %swap3A_116 = tpu.vector_load %arg8[%swap3A_114, %swap3A_115] {strides = array<i32>} : memref<9x3328xf32, #tpu.memory_space<vmem>>, vector<1x16xf32>,
      %swap3A_117 = vector.shape_cast %swap3A_116 : vector<1x16xf32> to vector<16xf32>
      %swap3A_118 = vector.shape_cast %select_n3A_112 : vector<16xf32> to vector<1x16xf32>
      tpu.vector_store %arg8[%swap3A_114, %swap3A_115], %swap3A_118 {strides = array<i32>} : memref<9x3328xf32, #tpu.memory_space<vmem>>, vector<1x16xf32>,
      %select_n3A_119 = arith.select %eq3A_96, %get3A_91, %broadcast_in_dim3A_25 : vector<16xi1>, vector<16xf32>
      %swap3A_120 = arith.constant 3 : i32
      %swap3A_121 = arith.index_cast %swap3A_120 : i32 to index
      %swap3A_122 = arith.index_cast %mul3A_83 : i32 to index
      %swap3A_123 = tpu.vector_load %arg8[%swap3A_121, %swap3A_122] {strides = array<i32>} : memref<9x3328xf32, #tpu.memory_space<vmem>>, vector<1x16xf32>,
      %swap3A_124 = vector.shape_cast %swap3A_123 : vector<1x16xf32> to vector<16xf32>
      %swap3A_125 = vector.shape_cast %select_n3A_119 : vector<16xf32> to vector<1x16xf32>
      tpu.vector_store %arg8[%swap3A_121, %swap3A_122], %swap3A_125 {strides = array<i32>} : memref<9x3328xf32, #tpu.memory_space<vmem>>, vector<1x16xf32>,
      %select_n3A_126 = arith.select %eq3A_99, %get3A_88, %broadcast_in_dim3A_25 : vector<16xi1>, vector<16xf32>
      %swap3A_127 = arith.constant 4 : i32
      %swap3A_128 = arith.index_cast %swap3A_127 : i32 to index
      %swap3A_129 = arith.index_cast %mul3A_83 : i32 to index
      %swap3A_130 = tpu.vector_load %arg8[%swap3A_128, %swap3A_129] {strides = array<i32>} : memref<9x3328xf32, #tpu.memory_space<vmem>>, vector<1x16xf32>,
      %swap3A_131 = vector.shape_cast %swap3A_130 : vector<1x16xf32> to vector<16xf32>
      %swap3A_132 = vector.shape_cast %select_n3A_126 : vector<16xf32> to vector<1x16xf32>
      tpu.vector_store %arg8[%swap3A_128, %swap3A_129], %swap3A_132 {strides = array<i32>} : memref<9x3328xf32, #tpu.memory_space<vmem>>, vector<1x16xf32>,
      %select_n3A_133 = arith.select %eq3A_99, %get3A_91, %broadcast_in_dim3A_25 : vector<16xi1>, vector<16xf32>
      %swap3A_134 = arith.constant 5 : i32
      %swap3A_135 = arith.index_cast %swap3A_134 : i32 to index
      %swap3A_136 = arith.index_cast %mul3A_83 : i32 to index
      %swap3A_137 = tpu.vector_load %arg8[%swap3A_135, %swap3A_136] {strides = array<i32>} : memref<9x3328xf32, #tpu.memory_space<vmem>>, vector<1x16xf32>,
      %swap3A_138 = vector.shape_cast %swap3A_137 : vector<1x16xf32> to vector<16xf32>
      %swap3A_139 = vector.shape_cast %select_n3A_133 : vector<16xf32> to vector<1x16xf32>
      tpu.vector_store %arg8[%swap3A_135, %swap3A_136], %swap3A_139 {strides = array<i32>} : memref<9x3328xf32, #tpu.memory_space<vmem>>, vector<1x16xf32>,
      %select_n3A_140 = arith.select %eq3A_93, %broadcast_in_dim3A_27, %broadcast_in_dim3A_25 : vector<16xi1>, vector<16xf32>
      %swap3A_141 = arith.constant 6 : i32
      %swap3A_142 = arith.index_cast %swap3A_141 : i32 to index
      %swap3A_143 = arith.index_cast %mul3A_83 : i32 to index
      %swap3A_144 = tpu.vector_load %arg8[%swap3A_142, %swap3A_143] {strides = array<i32>} : memref<9x3328xf32, #tpu.memory_space<vmem>>, vector<1x16xf32>,
      %swap3A_145 = vector.shape_cast %swap3A_144 : vector<1x16xf32> to vector<16xf32>
      %swap3A_146 = vector.shape_cast %select_n3A_140 : vector<16xf32> to vector<1x16xf32>
      tpu.vector_store %arg8[%swap3A_142, %swap3A_143], %swap3A_146 {strides = array<i32>} : memref<9x3328xf32, #tpu.memory_space<vmem>>, vector<1x16xf32>,
      %select_n3A_147 = arith.select %eq3A_96, %broadcast_in_dim3A_27, %broadcast_in_dim3A_25 : vector<16xi1>, vector<16xf32>
      %swap3A_148 = arith.constant 7 : i32
      %swap3A_149 = arith.index_cast %swap3A_148 : i32 to index
      %swap3A_150 = arith.index_cast %mul3A_83 : i32 to index
      %swap3A_151 = tpu.vector_load %arg8[%swap3A_149, %swap3A_150] {strides = array<i32>} : memref<9x3328xf32, #tpu.memory_space<vmem>>, vector<1x16xf32>,
      %swap3A_152 = vector.shape_cast %swap3A_151 : vector<1x16xf32> to vector<16xf32>
      %swap3A_153 = vector.shape_cast %select_n3A_147 : vector<16xf32> to vector<1x16xf32>
      tpu.vector_store %arg8[%swap3A_149, %swap3A_150], %swap3A_153 {strides = array<i32>} : memref<9x3328xf32, #tpu.memory_space<vmem>>, vector<1x16xf32>,
      %select_n3A_154 = arith.select %eq3A_99, %broadcast_in_dim3A_27, %broadcast_in_dim3A_25 : vector<16xi1>, vector<16xf32>
      %swap3A_155 = arith.constant 8 : i32
      %swap3A_156 = arith.index_cast %swap3A_155 : i32 to index
      %swap3A_157 = arith.index_cast %mul3A_83 : i32 to index
      %swap3A_158 = tpu.vector_load %arg8[%swap3A_156, %swap3A_157] {strides = array<i32>} : memref<9x3328xf32, #tpu.memory_space<vmem>>, vector<1x16xf32>,
      %swap3A_159 = vector.shape_cast %swap3A_158 : vector<1x16xf32> to vector<16xf32>
      %swap3A_160 = vector.shape_cast %select_n3A_154 : vector<16xf32> to vector<1x16xf32>
      tpu.vector_store %arg8[%swap3A_156, %swap3A_157], %swap3A_160 {strides = array<i32>} : memref<9x3328xf32, #tpu.memory_space<vmem>>, vector<1x16xf32>,
    }
    %scan3A_32 = arith.constant 104 : i32
    %dma_start3A_33 = arith.constant 0 : i32
    %dma_start3A_34 = arith.constant 0 : i32
    %dma_start3A_35 = tpu.memref_slice %arg8[%dma_start3A_33, %dma_start3A_34] : memref<9x3328xf32, #tpu.memory_space<vmem>> -> memref<9x1664xf32, #tpu.memory_space<vmem>>
    %dma_start3A_36 = arith.constant 0 : i32
    %dma_start3A_37 = tpu.memref_slice %arg4[%dma_start3A_36, %mul3A_2] : memref<9x106496xf32, #tpu.memory_space<hbm>> -> memref<9x1664xf32, #tpu.memory_space<hbm>>
    %dma_start3A_38 = arith.constant 0 : i32
    %dma_start3A_39 = tpu.memref_slice %arg4[%dma_start3A_38, %mul3A_2] : memref<9x106496xf32, #tpu.memory_space<hbm>> -> memref<9x1664xf32, #tpu.memory_space<hbm>>
    %dma_start3A_40 = arith.constant 0 : i32
    %dma_start3A_41 = arith.constant 0 : i32
    %dma_start3A_42 = tpu.memref_slice %arg8[%dma_start3A_40, %dma_start3A_41] : memref<9x3328xf32, #tpu.memory_space<vmem>> -> memref<9x1664xf32, #tpu.memory_space<vmem>>
    tpu.enqueue_dma source(%dma_start3A_42 : memref<9x1664xf32, #tpu.memory_space<vmem>>) target(%dma_start3A_39 : memref<9x1664xf32, #tpu.memory_space<hbm>>) target_semaphore(%arg9 : memref<!tpu.dma_semaphore, #tpu.memory_space<semaphore_mem>>)
    %scan3A_43 = arith.constant 0 : i32
    %scan3A_44 = arith.constant 104 : i32
    %scan3A_45 = arith.constant 104 : i32
    %scan3A_46 = arith.addi %scan3A_44, %scan3A_45 : i32
    %scan3A_47 = arith.constant 1 : i32
    scf.for %scan3A_81 = %scan3A_44 to %scan3A_46 step %scan3A_47  : i32 {
      %mul3A_82 = arith.constant 16 : i32
      %mul3A_83 = arith.muli %scan3A_81, %mul3A_82 : i32
      %get3A = arith.index_cast %mul3A_83 : i32 to index
      %get3A_84 = tpu.vector_load %arg7[%get3A] {strides = array<i32>} : memref<3328xi32, #tpu.memory_space<vmem>>, vector<16xi32>,
      %get3A_85 = vector.shape_cast %get3A_84 : vector<16xi32> to vector<16xi32>
      %get3A_86 = arith.index_cast %mul3A_83 : i32 to index
      %get3A_87 = tpu.vector_load %arg5[%get3A_86] {strides = array<i32>} : memref<3328xf32, #tpu.memory_space<vmem>>, vector<16xf32>,
      %get3A_88 = vector.shape_cast %get3A_87 : vector<16xf32> to vector<16xf32>
      %get3A_89 = arith.index_cast %mul3A_83 : i32 to index
      %get3A_90 = tpu.vector_load %arg6[%get3A_89] {strides = array<i32>} : memref<3328xf32, #tpu.memory_space<vmem>>, vector<16xf32>,
      %get3A_91 = vector.shape_cast %get3A_90 : vector<16xf32> to vector<16xf32>
      %eq3A = arith.constant 1 : i32
      %eq3A_92 = vector.broadcast %eq3A : i32 to vector<16xi32>
      %eq3A_93 = arith.cmpi eq, %get3A_85, %eq3A_92 : vector<16xi32>
      %eq3A_94 = arith.constant 2 : i32
      %eq3A_95 = vector.broadcast %eq3A_94 : i32 to vector<16xi32>
      %eq3A_96 = arith.cmpi eq, %get3A_85, %eq3A_95 : vector<16xi32>
      %eq3A_97 = arith.constant 3 : i32
      %eq3A_98 = vector.broadcast %eq3A_97 : i32 to vector<16xi32>
      %eq3A_99 = arith.cmpi eq, %get3A_85, %eq3A_98 : vector<16xi32>
      %select_n3A = arith.select %eq3A_93, %get3A_88, %broadcast_in_dim3A_25 : vector<16xi1>, vector<16xf32>
      %swap3A = arith.constant 0 : i32
      %swap3A_100 = arith.index_cast %swap3A : i32 to index
      %swap3A_101 = arith.index_cast %mul3A_83 : i32 to index
      %swap3A_102 = tpu.vector_load %arg8[%swap3A_100, %swap3A_101] {strides = array<i32>} : memref<9x3328xf32, #tpu.memory_space<vmem>>, vector<1x16xf32>,
      %swap3A_103 = vector.shape_cast %swap3A_102 : vector<1x16xf32> to vector<16xf32>
      %swap3A_104 = vector.shape_cast %select_n3A : vector<16xf32> to vector<1x16xf32>
      tpu.vector_store %arg8[%swap3A_100, %swap3A_101], %swap3A_104 {strides = array<i32>} : memref<9x3328xf32, #tpu.memory_space<vmem>>, vector<1x16xf32>,
      %select_n3A_105 = arith.select %eq3A_93, %get3A_91, %broadcast_in_dim3A_25 : vector<16xi1>, vector<16xf32>
      %swap3A_106 = arith.constant 1 : i32
      %swap3A_107 = arith.index_cast %swap3A_106 : i32 to index
      %swap3A_108 = arith.index_cast %mul3A_83 : i32 to index
      %swap3A_109 = tpu.vector_load %arg8[%swap3A_107, %swap3A_108] {strides = array<i32>} : memref<9x3328xf32, #tpu.memory_space<vmem>>, vector<1x16xf32>,
      %swap3A_110 = vector.shape_cast %swap3A_109 : vector<1x16xf32> to vector<16xf32>
      %swap3A_111 = vector.shape_cast %select_n3A_105 : vector<16xf32> to vector<1x16xf32>
      tpu.vector_store %arg8[%swap3A_107, %swap3A_108], %swap3A_111 {strides = array<i32>} : memref<9x3328xf32, #tpu.memory_space<vmem>>, vector<1x16xf32>,
      %select_n3A_112 = arith.select %eq3A_96, %get3A_88, %broadcast_in_dim3A_25 : vector<16xi1>, vector<16xf32>
      %swap3A_113 = arith.constant 2 : i32
      %swap3A_114 = arith.index_cast %swap3A_113 : i32 to index
      %swap3A_115 = arith.index_cast %mul3A_83 : i32 to index
      %swap3A_116 = tpu.vector_load %arg8[%swap3A_114, %swap3A_115] {strides = array<i32>} : memref<9x3328xf32, #tpu.memory_space<vmem>>, vector<1x16xf32>,
      %swap3A_117 = vector.shape_cast %swap3A_116 : vector<1x16xf32> to vector<16xf32>
      %swap3A_118 = vector.shape_cast %select_n3A_112 : vector<16xf32> to vector<1x16xf32>
      tpu.vector_store %arg8[%swap3A_114, %swap3A_115], %swap3A_118 {strides = array<i32>} : memref<9x3328xf32, #tpu.memory_space<vmem>>, vector<1x16xf32>,
      %select_n3A_119 = arith.select %eq3A_96, %get3A_91, %broadcast_in_dim3A_25 : vector<16xi1>, vector<16xf32>
      %swap3A_120 = arith.constant 3 : i32
      %swap3A_121 = arith.index_cast %swap3A_120 : i32 to index
      %swap3A_122 = arith.index_cast %mul3A_83 : i32 to index
      %swap3A_123 = tpu.vector_load %arg8[%swap3A_121, %swap3A_122] {strides = array<i32>} : memref<9x3328xf32, #tpu.memory_space<vmem>>, vector<1x16xf32>,
      %swap3A_124 = vector.shape_cast %swap3A_123 : vector<1x16xf32> to vector<16xf32>
      %swap3A_125 = vector.shape_cast %select_n3A_119 : vector<16xf32> to vector<1x16xf32>
      tpu.vector_store %arg8[%swap3A_121, %swap3A_122], %swap3A_125 {strides = array<i32>} : memref<9x3328xf32, #tpu.memory_space<vmem>>, vector<1x16xf32>,
      %select_n3A_126 = arith.select %eq3A_99, %get3A_88, %broadcast_in_dim3A_25 : vector<16xi1>, vector<16xf32>
      %swap3A_127 = arith.constant 4 : i32
      %swap3A_128 = arith.index_cast %swap3A_127 : i32 to index
      %swap3A_129 = arith.index_cast %mul3A_83 : i32 to index
      %swap3A_130 = tpu.vector_load %arg8[%swap3A_128, %swap3A_129] {strides = array<i32>} : memref<9x3328xf32, #tpu.memory_space<vmem>>, vector<1x16xf32>,
      %swap3A_131 = vector.shape_cast %swap3A_130 : vector<1x16xf32> to vector<16xf32>
      %swap3A_132 = vector.shape_cast %select_n3A_126 : vector<16xf32> to vector<1x16xf32>
      tpu.vector_store %arg8[%swap3A_128, %swap3A_129], %swap3A_132 {strides = array<i32>} : memref<9x3328xf32, #tpu.memory_space<vmem>>, vector<1x16xf32>,
      %select_n3A_133 = arith.select %eq3A_99, %get3A_91, %broadcast_in_dim3A_25 : vector<16xi1>, vector<16xf32>
      %swap3A_134 = arith.constant 5 : i32
      %swap3A_135 = arith.index_cast %swap3A_134 : i32 to index
      %swap3A_136 = arith.index_cast %mul3A_83 : i32 to index
      %swap3A_137 = tpu.vector_load %arg8[%swap3A_135, %swap3A_136] {strides = array<i32>} : memref<9x3328xf32, #tpu.memory_space<vmem>>, vector<1x16xf32>,
      %swap3A_138 = vector.shape_cast %swap3A_137 : vector<1x16xf32> to vector<16xf32>
      %swap3A_139 = vector.shape_cast %select_n3A_133 : vector<16xf32> to vector<1x16xf32>
      tpu.vector_store %arg8[%swap3A_135, %swap3A_136], %swap3A_139 {strides = array<i32>} : memref<9x3328xf32, #tpu.memory_space<vmem>>, vector<1x16xf32>,
      %select_n3A_140 = arith.select %eq3A_93, %broadcast_in_dim3A_27, %broadcast_in_dim3A_25 : vector<16xi1>, vector<16xf32>
      %swap3A_141 = arith.constant 6 : i32
      %swap3A_142 = arith.index_cast %swap3A_141 : i32 to index
      %swap3A_143 = arith.index_cast %mul3A_83 : i32 to index
      %swap3A_144 = tpu.vector_load %arg8[%swap3A_142, %swap3A_143] {strides = array<i32>} : memref<9x3328xf32, #tpu.memory_space<vmem>>, vector<1x16xf32>,
      %swap3A_145 = vector.shape_cast %swap3A_144 : vector<1x16xf32> to vector<16xf32>
      %swap3A_146 = vector.shape_cast %select_n3A_140 : vector<16xf32> to vector<1x16xf32>
      tpu.vector_store %arg8[%swap3A_142, %swap3A_143], %swap3A_146 {strides = array<i32>} : memref<9x3328xf32, #tpu.memory_space<vmem>>, vector<1x16xf32>,
      %select_n3A_147 = arith.select %eq3A_96, %broadcast_in_dim3A_27, %broadcast_in_dim3A_25 : vector<16xi1>, vector<16xf32>
      %swap3A_148 = arith.constant 7 : i32
      %swap3A_149 = arith.index_cast %swap3A_148 : i32 to index
      %swap3A_150 = arith.index_cast %mul3A_83 : i32 to index
      %swap3A_151 = tpu.vector_load %arg8[%swap3A_149, %swap3A_150] {strides = array<i32>} : memref<9x3328xf32, #tpu.memory_space<vmem>>, vector<1x16xf32>,
      %swap3A_152 = vector.shape_cast %swap3A_151 : vector<1x16xf32> to vector<16xf32>
      %swap3A_153 = vector.shape_cast %select_n3A_147 : vector<16xf32> to vector<1x16xf32>
      tpu.vector_store %arg8[%swap3A_149, %swap3A_150], %swap3A_153 {strides = array<i32>} : memref<9x3328xf32, #tpu.memory_space<vmem>>, vector<1x16xf32>,
      %select_n3A_154 = arith.select %eq3A_99, %broadcast_in_dim3A_27, %broadcast_in_dim3A_25 : vector<16xi1>, vector<16xf32>
      %swap3A_155 = arith.constant 8 : i32
      %swap3A_156 = arith.index_cast %swap3A_155 : i32 to index
      %swap3A_157 = arith.index_cast %mul3A_83 : i32 to index
      %swap3A_158 = tpu.vector_load %arg8[%swap3A_156, %swap3A_157] {strides = array<i32>} : memref<9x3328xf32, #tpu.memory_space<vmem>>, vector<1x16xf32>,
      %swap3A_159 = vector.shape_cast %swap3A_158 : vector<1x16xf32> to vector<16xf32>
      %swap3A_160 = vector.shape_cast %select_n3A_154 : vector<16xf32> to vector<1x16xf32>
      tpu.vector_store %arg8[%swap3A_156, %swap3A_157], %swap3A_160 {strides = array<i32>} : memref<9x3328xf32, #tpu.memory_space<vmem>>, vector<1x16xf32>,
    }
    %scan3A_48 = arith.constant 104 : i32
    %add3A_49 = arith.constant 1664 : i32
    %add3A_50 = arith.addi %mul3A_2, %add3A_49 : i32
    %dma_start3A_51 = arith.constant 0 : i32
    %dma_start3A_52 = arith.constant 1664 : i32
    %dma_start3A_53 = tpu.memref_slice %arg8[%dma_start3A_51, %dma_start3A_52] : memref<9x3328xf32, #tpu.memory_space<vmem>> -> memref<9x1664xf32, #tpu.memory_space<vmem>>
    %dma_start3A_54 = arith.constant 0 : i32
    %dma_start3A_55 = tpu.memref_slice %arg4[%dma_start3A_54, %add3A_50] : memref<9x106496xf32, #tpu.memory_space<hbm>> -> memref<9x1664xf32, #tpu.memory_space<hbm>>
    %dma_start3A_56 = arith.constant 0 : i32
    %dma_start3A_57 = tpu.memref_slice %arg4[%dma_start3A_56, %add3A_50] : memref<9x106496xf32, #tpu.memory_space<hbm>> -> memref<9x1664xf32, #tpu.memory_space<hbm>>
    %dma_start3A_58 = arith.constant 0 : i32
    %dma_start3A_59 = arith.constant 1664 : i32
    %dma_start3A_60 = tpu.memref_slice %arg8[%dma_start3A_58, %dma_start3A_59] : memref<9x3328xf32, #tpu.memory_space<vmem>> -> memref<9x1664xf32, #tpu.memory_space<vmem>>
    tpu.enqueue_dma source(%dma_start3A_60 : memref<9x1664xf32, #tpu.memory_space<vmem>>) target(%dma_start3A_57 : memref<9x1664xf32, #tpu.memory_space<hbm>>) target_semaphore(%arg10 : memref<!tpu.dma_semaphore, #tpu.memory_space<semaphore_mem>>)
    %dma_wait3A_61 = arith.constant 0 : i32
    %dma_wait3A_62 = arith.constant 0 : i32
    %dma_wait3A_63 = tpu.memref_slice %arg8[%dma_wait3A_61, %dma_wait3A_62] : memref<9x3328xf32, #tpu.memory_space<vmem>> -> memref<9x1664xf32, #tpu.memory_space<vmem>>
    %dma_wait3A_64 = arith.constant 0 : i32
    %dma_wait3A_65 = tpu.memref_slice %arg4[%dma_wait3A_64, %mul3A_2] : memref<9x106496xf32, #tpu.memory_space<hbm>> -> memref<9x1664xf32, #tpu.memory_space<hbm>>
    %dma_wait3A_66 = arith.constant 0 : i32
    %dma_wait3A_67 = tpu.memref_slice %arg4[%dma_wait3A_66, %mul3A_2] : memref<9x106496xf32, #tpu.memory_space<hbm>> -> memref<9x1664xf32, #tpu.memory_space<hbm>>
    %dma_wait3A_68 = arith.constant 0 : i32
    %dma_wait3A_69 = arith.constant 0 : i32
    %dma_wait3A_70 = tpu.memref_slice %arg8[%dma_wait3A_68, %dma_wait3A_69] : memref<9x3328xf32, #tpu.memory_space<vmem>> -> memref<9x1664xf32, #tpu.memory_space<vmem>>
    tpu.wait_dma2 semaphore(%arg9 : memref<!tpu.dma_semaphore, #tpu.memory_space<semaphore_mem>>) src(%dma_wait3A_70 : memref<9x1664xf32, #tpu.memory_space<vmem>>) dst(%dma_wait3A_67 : memref<9x1664xf32, #tpu.memory_space<hbm>>)
    %dma_wait3A_71 = arith.constant 0 : i32
    %dma_wait3A_72 = arith.constant 1664 : i32
    %dma_wait3A_73 = tpu.memref_slice %arg8[%dma_wait3A_71, %dma_wait3A_72] : memref<9x3328xf32, #tpu.memory_space<vmem>> -> memref<9x1664xf32, #tpu.memory_space<vmem>>
    %dma_wait3A_74 = arith.constant 0 : i32
    %dma_wait3A_75 = tpu.memref_slice %arg4[%dma_wait3A_74, %add3A_50] : memref<9x106496xf32, #tpu.memory_space<hbm>> -> memref<9x1664xf32, #tpu.memory_space<hbm>>
    %dma_wait3A_76 = arith.constant 0 : i32
    %dma_wait3A_77 = tpu.memref_slice %arg4[%dma_wait3A_76, %add3A_50] : memref<9x106496xf32, #tpu.memory_space<hbm>> -> memref<9x1664xf32, #tpu.memory_space<hbm>>
    %dma_wait3A_78 = arith.constant 0 : i32
    %dma_wait3A_79 = arith.constant 1664 : i32
    %dma_wait3A_80 = tpu.memref_slice %arg8[%dma_wait3A_78, %dma_wait3A_79] : memref<9x3328xf32, #tpu.memory_space<vmem>> -> memref<9x1664xf32, #tpu.memory_space<vmem>>
    tpu.wait_dma2 semaphore(%arg10 : memref<!tpu.dma_semaphore, #tpu.memory_space<semaphore_mem>>) src(%dma_wait3A_80 : memref<9x1664xf32, #tpu.memory_space<vmem>>) dst(%dma_wait3A_77 : memref<9x1664xf32, #tpu.memory_space<hbm>>)
    return
  }
}

module attributes {stable_mosaic.version = 14 : i64} {
  func.func @_dense_body(%arg0: i32, %arg1: memref<9x4096xf32, #tpu.memory_space<vmem>>, %arg2: memref<9x512xf32, #tpu.memory_space<vmem>>, %arg3: memref<4096x512xf32, #tpu.memory_space<vmem>>) attributes {dimension_semantics = [#tpu.dimension_semantics<arbitrary>], iteration_bounds = array<i64: 25>, scalar_prefetch = 0 : i64, scratch_operands = 0 : i64, tpu.core_type = #tpu.core_type<tc>, window_params = [{transform_indices = @transform_0, window_bounds = array<i64: 9, 4096>}, {pipeline_mode = #tpu.pipeline_mode<synchronous>, transform_indices = @transform_1, window_bounds = array<i64: 9, 512>}, {transform_indices = @transform_2, window_bounds = array<i64: 4096, 512>}]} {
    %get3A = arith.constant 0 : index
    %get3A_0 = arith.constant 0 : index
    %get3A_1 = vector.load %arg1[%get3A, %get3A_0] : memref<9x4096xf32, #tpu.memory_space<vmem>>, vector<9x4096xf32>
    %get3A_2 = arith.constant 0 : index
    %get3A_3 = arith.constant 0 : index
    %get3A_4 = vector.load %arg2[%get3A_2, %get3A_3] : memref<9x512xf32, #tpu.memory_space<vmem>>, vector<9x512xf32>
    %dot_general3A = arith.constant dense<0.000000e+00> : vector<4096x512xf32>
    %dot_general3A_5 = tpu.matmul %get3A_1, %get3A_4, %dot_general3A {dimension_numbers = #tpu.dot_dimension_numbers<[0], [0], [1], [1], [0, 1, 1, 1], [], []>, transpose_lhs_hint = false} : vector<9x4096xf32>, vector<9x512xf32>, vector<4096x512xf32> -> vector<4096x512xf32>
    %tanh3A = math.tanh %dot_general3A_5 : vector<4096x512xf32>
    %swap3A = arith.constant 0 : index
    %swap3A_6 = arith.constant 0 : index
    %swap3A_7 = vector.load %arg3[%swap3A, %swap3A_6] : memref<4096x512xf32, #tpu.memory_space<vmem>>, vector<4096x512xf32>
    tpu.vector_store %arg3[%swap3A, %swap3A_6], %tanh3A {strides = array<i32>} : memref<4096x512xf32, #tpu.memory_space<vmem>>, vector<4096x512xf32>,
    return
  }
  func.func @transform_0(%arg0: i32) -> (i32, i32) {
    %c0_i32 = arith.constant 0 : i32
    %c0_i32_0 = arith.constant 0 : i32
    return %c0_i32, %arg0 : i32, i32
  }
  func.func @transform_1(%arg0: i32) -> (i32, i32) {
    %c0_i32 = arith.constant 0 : i32
    %c0_i32_0 = arith.constant 0 : i32
    %c0_i32_1 = arith.constant 0 : i32
    return %c0_i32, %c0_i32_0 : i32, i32
  }
  func.func @transform_2(%arg0: i32) -> (i32, i32) {
    %c0_i32 = arith.constant 0 : i32
    %c0_i32_0 = arith.constant 0 : i32
    return %arg0, %c0_i32 : i32, i32
  }
}

</mosaic_0001>

<sc_bundles>
// kernel: kernel.4.cloned.1.call-start
scs
__scs_entry_jumppad:
0x0: {  	(pc) =	sbr.rel $0x88, $3  }
0x1: {  	(tag) =	ssettag $0x0;
	lr =	simm.s32 $0x1  }
0x2: {  	[smem:$0x3F99] =	sst lr;
	_ =	strace $0xD0000000  }
0x3: {  	_ = 	snop  }
0x4: {  	_ = 	snop  }
0x5: {  	_ = 	snop  }
0x6: {  	_ = 	snop  }
0x7: {  	_ = 	snop  }
__scs_overlays_trampoline_lowered:
0x8: {  	[smem:$0x3FA8] =	sst s0  }
0x9: {  	[smem:$0x3FA9] =	sst s1  }
0xa: {  	[smem:$0x3FAA] =	sst s2  }
0xb: {  	[smem:$0x3FAB] =	sst s3  }
0xc: {  	[smem:$0x3FAC] =	sst s4  }
0xd: {  	[smem:$0x3FAD] =	sst s5  }
0xe: {  	[smem:$0x3FAE] =	sst s6  }
0xf: {  	[smem:$0x3FAF] =	sst s7  }
0x10: {  	[smem:$0x3FB0] =	sst s8  }
0x11: {  	[smem:$0x3FB1] =	sst s9;
	s0 =	simm.s32 @!p0 $0x0  }
0x12: {  	s1 =	sld [smem:$0x3F97];
	s0 =	simm.s32 @p0 $0x1  }
0x13: {  	[smem:$0x3FB2] =	sst s0;
	s0 =	simm.s32 @!p1 $0x0  }
0x14: {  	s2 =	sld [smem:$0x3F96];
	s0 =	simm.s32 @p1 $0x1  }
0x15: {  	[smem:$0x3FB3] =	sst s0;
	s0 =	simm.s32 @!p2 $0x0  }
0x16: {  	s3 =	sld [smem:$0x3FDB];
	s0 =	simm.s32 @p2 $0x1  }
0x17: {  	s4 =	simm.s32 $0x1BF5;
	[smem:$0x3FB5] =	sst s0  }
0x18: {  	s0 =	sld [smem:$0x3F98];
	_ =	swait.ge [sflag:s4], $0x0  }
0x19: {  	s7 =	sld [smem:$0x3F99]  }
0x1a: {  	s8 =	sadd.s32 $0xFFFFE003, lr  }
0x1b: {  	s9 =	sadd.s32 $0xFFFFFEF7, lr;
	s5 =	simm.s32 $0xFFFFFFFF;
	p2 =	slt.u32 s8, $0xFFFFF086  }
0x1c: {  	p1 =	slt.u32 s9, $0xF7A;
	s5 =	simm.s32 @!p2 $0x0  }
0x1d: {  	s5 =	simm.s32 @p1 $0x1;
	p0 =	seq.s32 s7, s2  }
0x1e: {  	s7 =	smul.u32 @!p0 $0xF7A, s2;
	p2 =	seq.s32 @!p0 s5, $0x0  }
0x1f: {  	s9 =	smul.u32 $0xF7A, s1;
	s8 =	simm.s32 @!p0 $0x1BF5;
	p2 =	por !p2, p0  }
0x20: {  	[sflag:s8] =	ssyncset.s32 @!p0 $0xFFFFF086;
	s6 =	sadd.s32 @!p0 s3, s7;
	s7 =	simm.s32 @!p0 $0x108  }
0x21: {  	s3 =	sadd.s32 s3, s9;
	s6 =	sadd.s32 @!p0 $0x88, s6;
	s7 =	simm.s32 @p2 $0x1082  }
0x22: {  	[simem:s7], [sflag:s8] =	dma.local @!p0 [hbm:s6], $0xF7A  }
0x23: {  	s9 =	sor.u32 $0xD0000000, s2;
	s6 =	simm.s32 $0x108;
	_ =	swait.ge @!p0 [sflag:s8], $0x0  }
0x24: {  	s3 =	sadd.s32 $0x88, s3;
	s6 =	simm.s32 @!p1 $0x1082;
	[sflag:s4] =	ssyncset.s32 $0xFFFFF086  }
0x25: {  	[simem:s6], [sflag:s4] =	dma.local [hbm:s3], $0xF7A  }
0x26: {  	[smem:$0x3F99] =	sst s1;
	(tag) =	ssettag s2;
	_ =	strace s9  }
0x27: {  	s1 =	sld [smem:$0x3FA9]  }
0x28: {  	s2 =	sld [smem:$0x3FAA]  }
0x29: {  	s4 =	sld [smem:$0x3FAC]  }
0x2a: {  	p0 =	seq.s32 s5, $0x0;
	s5 =	sld [smem:$0x3FAD]  }
0x2b: {  	s6 =	sld [smem:$0x3FAE]  }
0x2c: {  	s7 =	sld [smem:$0x3FAF]  }
0x2d: {  	s3 =	simm.s32 $0x108;
	s8 =	sld [smem:$0x3FB0]  }
0x2e: {  	s3 =	simm.s32 @!p0 $0x1082;
	s9 =	sld [smem:$0x3FB1]  }
0x2f: {  	lr =	sadd.s32 s0, s3;
	s0 =	sld [smem:$0x3FA8]  }
0x30: {  	s3 =	sld [smem:$0x3FAB]  }
0x31: {  	[smem:$0x3FB4] =	sst s10  }
0x32: {  	s10 =	sld [smem:$0x3FB2];
	_ =	sdelay $0x3  }
0x33: {  	p0 =	seq.s32 s10, $0x1;
	s10 =	sld [smem:$0x3FB4];
	_ =	sdelay $0x3  }
0x34: {  	[smem:$0x3FB4] =	sst s10  }
0x35: {  	s10 =	sld [smem:$0x3FB3];
	_ =	sdelay $0x3  }
0x36: {  	p1 =	seq.s32 s10, $0x1;
	s10 =	sld [smem:$0x3FB4];
	_ =	sdelay $0x3  }
0x37: {  	[smem:$0x3FB4] =	sst s10  }
0x38: {  	s10 =	sld [smem:$0x3FB5]  }
0x39: {  	_ = 	snop;
	(pc) =	sbr.ind lr, $3  }
0x3a: {  	_ = 	snop  }
0x3b: {  	_ = 	snop  }
0x3c: {  	p2 =	seq.s32 s10, $0x1;
	s10 =	sld [smem:$0x3FB4]  }
0x3d: {  	_ =	shalt  }
0x3e: {  	_ =	shalt  }
0x3f: {  	_ =	shalt  }
0x40: {  	_ =	shalt  }
0x41: {  	_ =	shalt  }
0x42: {  	_ =	shalt  }
0x43: {  	_ =	shalt  }
0x44: {  	_ =	shalt  }
0x45: {  	_ =	shalt  }
0x46: {  	_ =	shalt  }
0x47: {  	_ =	shalt  }
0x48: {  	_ =	shalt  }
0x49: {  	_ =	shalt  }
0x4a: {  	_ =	shalt  }
0x4b: {  	_ =	shalt  }
0x4c: {  	_ =	shalt  }
0x4d: {  	_ =	shalt  }
0x4e: {  	_ =	shalt  }
0x4f: {  	_ =	shalt  }
0x50: {  	_ =	shalt  }
0x51: {  	_ =	shalt  }
0x52: {  	_ =	shalt  }
0x53: {  	_ =	shalt  }
0x54: {  	_ =	shalt  }
0x55: {  	_ =	shalt  }
0x56: {  	_ =	shalt  }
0x57: {  	_ =	shalt  }
0x58: {  	_ =	shalt  }
0x59: {  	_ =	shalt  }
0x5a: {  	_ =	shalt  }
0x5b: {  	_ =	shalt  }
0x5c: {  	_ =	shalt  }
0x5d: {  	_ =	shalt  }
0x5e: {  	_ =	shalt  }
0x5f: {  	_ =	shalt  }
0x60: {  	_ =	shalt  }
0x61: {  	_ =	shalt  }
0x62: {  	_ =	shalt  }
0x63: {  	_ =	shalt  }
0x64: {  	_ =	shalt  }
0x65: {  	_ =	shalt  }
0x66: {  	_ =	shalt  }
0x67: {  	_ =	shalt  }
0x68: {  	_ =	shalt  }
0x69: {  	_ =	shalt  }
0x6a: {  	_ =	shalt  }
0x6b: {  	_ =	shalt  }
0x6c: {  	_ =	shalt  }
0x6d: {  	_ =	shalt  }
0x6e: {  	_ =	shalt  }
0x6f: {  	_ =	shalt  }
0x70: {  	_ =	shalt  }
0x71: {  	_ =	shalt  }
0x72: {  	_ =	shalt  }
0x73: {  	_ =	shalt  }
0x74: {  	_ =	shalt  }
0x75: {  	_ =	shalt  }
0x76: {  	_ =	shalt  }
0x77: {  	_ =	shalt  }
0x78: {  	_ =	shalt  }
0x79: {  	_ =	shalt  }
0x7a: {  	_ =	shalt  }
0x7b: {  	_ =	shalt  }
0x7c: {  	_ =	shalt  }
0x7d: {  	_ =	shalt  }
0x7e: {  	_ =	shalt  }
0x7f: {  	_ =	shalt  }
0x80: {  	_ =	shalt  }
0x81: {  	_ =	shalt  }
0x82: {  	_ =	shalt  }
0x83: {  	_ =	shalt  }
0x84: {  	_ =	shalt  }
0x85: {  	_ =	shalt  }
0x86: {  	_ =	shalt  }
0x87: {  	_ =	shalt  }
.Lfunc_end0:
.L_simem_size_0:
called_computation_lowered:
.L_overlay_start_0:
0x88: {  	s2 =	sld [smem:$0x3FD9]  }
0x89: {  	s3 =	sld [smem:$0x3FFE];
	_ =	sdelay $0x1  }
0x8a: {  	s1 =	srdreg.scid  }
0x8b: {  	s0 =	sand.u32 $0x1, s1  }
0x8c: {  	s17 =	sshll.u32 s0, $0xA;
	s2 =	sadd.s32 s3, s2  }
0x8d: {  	s2 =	sadd.s32 s2, s17  }
0x8e: {  	[smem:$0x3FC0] =	sst s2  }
0x8f: {  	_ = 	snop  }
0x90: {  	s2 =	sld [smem:$0x3FD0];
	(tm) =	ssettm $0x1  }
0x91: {  	s18 =	sld [smem:$0x3FFB];
	_ =	sdelay $0x3  }
0x92: {  	_ =	strace s18  }
0x93: {  	s3 =	sld [smem:$0x3FFC];
	_ =	sdelay $0x3  }
0x94: {  	_ =	strace s3  }
0x95: {  	s3 =	sld [smem:$0x3FFD];
	_ =	sdelay $0x3  }
0x96: {  	_ =	strace s3  }
0x97: {  	_ =	strace $0x8FFFFFFF  }
0x98: {  	s19 =	sld [smem:$0x3FDB];
	_ =	sdelay $0x1  }
0x99: {  	s4 =	simm.s32 $_scs_section_size  }
0x9a: {  	s5 =	simm.s32 $_size__tile_overlayer_lowered;
	s6 =	simm.s32 $_tile_overlayer_lowered  }
0x9b: {  	s22 =	simm.s32 $0x1BFF;
	s21 =	sshll.u32 s6, $0x1;
	s3 =	sadd.s32 s4, s19  }
0x9c: {  	s7 =	simm.s32 $0x0;
	s20 =	sshll.u32 s5, $0x1;
	s5 =	sadd.s32 s21, s3  }
0x9d: {  	[timem:s7], [sflag:s22] =	dma.local [hbm:s5], s20  }
0x9e: {  	_ =	swait.ge [sflag:s22], s20  }
0x9f: {  	s4 =	ssub.s32 $0x0, s20;
	[sflag:s22] =	ssyncset.done $0x0  }
0xa0: {  	[sflag:s22] =	ssyncadd.s32 s4;
	_ =	sdelay $0x1  }
0xa1: {  	s23 =	simm.s32 $0x1B8B  }
0xa2: {  	_ =	swait.ge [sflag:s23], $0x1  }
0xa3: {  	[sflag:s23] =	ssyncset.done $0x0  }
0xa4: {  	s25 =	simm.s32 $0x1B8E;
	s24 =	sld [smem:$0x3FFE];
	[sflag:s23] =	ssyncadd.s32 $0xFFFFFFFF  }
0xa5: {  	s26 =	simm.s32 $execute0_lowered;
	[smem:$0x3FD2] =	sst s25  }
0xa6: {  	s5 =	sshll.u32 s26, $0x1;
	_ =	strace $0x80000046;
	[dreg:$0x1] =	wrdreg $0xFFFFFFFF  }
0xa7: {  	s28 =	simm.s32 $_size_execute0_lowered;
	s3 =	sadd.s32 s3, s5;
	[dreg:$0x0] =	wrdreg $0x0  }
0xa8: {  	s5 =	sshll.u32 s28, $0x1;
	[dreg:$0x2] =	wrdreg s3  }
0xa9: {  	[dreg:$0x3] =	wrdreg s5  }
0xaa: {  	[dreg:$0x4] =	wrdreg $0xC0  }
0xab: {  	_ =	task [dreg:s7], $0x5FFFF  }
0xac: {  	[dreg:$0x1] =	wrdreg $0xFFFFFFFF  }
0xad: {  	[dreg:$0x0] =	wrdreg $0x60  }
0xae: {  	[dreg:$0x2] =	wrdreg s24  }
0xaf: {  	[dreg:$0x3] =	wrdreg s2  }
0xb0: {  	[dreg:$0x4] =	wrdreg $0x9  }
0xb1: {  	_ =	task.clear_ibuf [dreg:s7], $0x5FFFF;
	_ =	strace $0x90000046  }
0xb2: {  	s29 =	simm.s32 $0x9;
	_ =	strace $0x80000048  }
0xb3: {  	_ =	swait.ge [sflag:s29], $0x1  }
0xb4: {  	[sflag:s29] =	ssyncadd.s32 $0xFFFFFFFF  }
0xb5: {  	_ =	strace $0x90000048  }
0xb6: {  	_ =	sfence  }
0xb7: {  	s30 =	sld [smem:$0x0];
	_ =	sdelay $0x2  }
0xb8: {  	s31 =	sshll.u32 s1, $0xD;
	s1 =	sshrl.u32 s1, $0x2  }
0xb9: {  	s3 =	sand.u32 $0x4000, s31;
	s1 =	sadd.s32 s1, s30  }
0xba: {  	s0 =	sor.u32 s3, s0;
	s1 =	sshll.u32 s1, $0x11  }
0xbb: {  	s0 =	sor.u32 s1, s0  }
0xbc: {  	s0 =	sadd.s32 $0x8F2B, s0  }
0xbd: {  	[sflag:s0] =	ssyncadd.remote.s32 $0x1  }
0xbe: {  	_ =	sfence.sel $0xFFFF  }
0xbf: {  	[dreg:$0x0] =	wrdreg $0xFFFFFFFF;
	(pc) =	sbr.abs _section_cstart, $3  }
0xc0: {  	[dreg:$0x1] =	wrdreg $0xFFFFFFFF  }
0xc1: {  	_ =	task.clear_ibuf [dreg:s7], $0x2FFFF;
	_ =	strace $0x9FFFFFFF  }
0xc2: {  	(tm) =	ssettm $0x7FFFFFFF  }
0xc3: {  	_ =	shalt  }
tec
execute0_lowered:
.L_overlay_start_1:
0x0: {  	(tag) =	ssettag $0x1  }
0x1: {  	s3 =	rddreg [dreg:$0x0];
	s1 =	srdreg.scid  }
0x2: {  	s0 =	stileid.u32;
	s7 =	rddreg [dreg:$0x1];
	s2 =	simm.s32 $0x0  }
0x3: {  	s12 =	simm.s32 $0x2;
	s13 =	simm.s32 $0x3;
	s14 =	simm.s32 $0x2700  }
0x4: {  	s15 =	simm.s32 $0x8F00;
	s4 =	sand.u32 $0x1, s1;
	s5 =	sshll.u32 s0, $0x1  }
0x5: {  	s16 =	simm.s32 $0x5B00;
	s17 =	simm.s32 $0xC300;
	s5 =	sor.u32 s4, s5  }
0x6: {  	s18 =	simm.s32 $0x0;
	s1 =	rddreg [dreg:$0x2];
	s6 =	smul.u32 $0x340, s5  }
0x7: {  	[smem:$0x7FF] =	sst s2;
	s4 =	ssub.s32 $0x2, s4;
	s8 =	smul.u32 $0x1A0, s5  }
0x8: {  	_ =	strace $0x80000047;
	s9 =	sshrl.u32 s4, $0x1;
	s10 =	smul.u32 $0x6800, s5  }
0x9: {  	s11 =	smul.u32 $0xD00, s5;
	s9 =	ssub.s32 s4, s9;
	s6 =	sadd.s32 s6, s3  }
0xa: {  	s8 =	sadd.s32 s8, s3;
	s10 =	sshrl.u32 s10, $0x3;
	s3 =	sadd.s32 $0x3A00, s6  }
0xb: {  	s4 =	sadd.s32 $0x3A10, s6;
	s5 =	sadd.s32 $0x600, s8;
	s6 =	sadd.s32 s7, s11  }
0xc: {  	s7 =	sadd.s32 s7, s10;
	s8 =	smax.u32 s9, $0x1;
	s9 =	simm.s32 $0x80  }
0xd: {  	v0 =	vimm.f32 $0.0e+00;
	s10 =	simm.s32 $0x100;
	s11 =	simm.s32 $0x1;
	s7 =	sadd.s32 $0x680, s7  }
.LBB2_1:
0xe: {  	[tilespmem:s2], [sflag:$0x1] =	stream.strided.gather [hbm4b:s3+s9], $0xD00, s10, s9, $0x38;
	[tilespmem:$0xF700] =	vst v63  }
0xf: {  	s19 =	simm.s32 $0xD00  }
0x10: {  	[tilespmem:s19], [sflag:$0x2] =	stream.strided.gather [hbm4b:s4+s9], $0xD00, s10, s9, $0x38;
	[tilespmem:$0xF700] =	vst v63  }
0x11: {  	s20 =	simm.s32 $0x1A00  }
0x12: {  	[tilespmem:s20], [sflag:$0x3] =	stream.linear.gather [hbm4b:s5+s2], $0xD00, $0x38;
	[tilespmem:$0xF700] =	vst v63  }
0x13: {  	_ =	swait.ge [sflag:s11], $0xD00  }
0x14: {  	[sflag:s11] =	ssyncset.done $0x0  }
0x15: {  	[sflag:s11] =	ssyncadd.s32 $0xFFFFF300  }
0x16: {  	_ =	swait.ge [sflag:s12], $0xD00  }
0x17: {  	[sflag:s12] =	ssyncset.done $0x0  }
0x18: {  	[sflag:s12] =	ssyncadd.s32 $0xFFFFF300  }
0x19: {  	_ =	swait.ge [sflag:s13], $0xD00  }
0x1a: {  	[sflag:s13] =	ssyncset.done $0x0  }
0x1b: {  	[sflag:s13] =	ssyncadd.s32 $0xFFFFF300  }
0x1c: {  	v1 =	vld [tilespmem:s20+$0x0]  }
0x1d: {  	v2 =	vld [tilespmem:s2+$0x0]  }
0x1e: {  	v3 =	vld [tilespmem:s19+$0x0];
	_ =	sdelay $0x2  }
0x1f: {  	s29 =	sand.u32 $0x70, s2;
	s30 =	sand.u32 $0x3C00, s2;
	vm0 =	veq.s32 v1, $0x1  }
0x20: {  	s19 =	sor.u32 s29, s30;
	vm1 =	veq.s32 v1, $0x2;
	v4 =	vnsel vm0, $0x0, v2  }
0x21: {  	vm2 =	veq.s32 v1, $0x3;
	v1 =	vnsel vm1, $0x0, v3;
	[tilespmem:s19+$0x2700] =	vst v4  }
0x22: {  	v4 =	vnsel vm0, $0x0, v3;
	[tilespmem:s19+$0x2880] =	vst v1  }
0x23: {  	v1 =	vnsel vm2, $0x0, v2;
	[tilespmem:s19+$0x2780] =	vst v4  }
0x24: {  	s31 =	sand.u32 $0x7, s2;
	v4 =	vnsel vm1, $0x0, v2;
	[tilespmem:s19+$0x2900] =	vst v1  }
0x25: {  	s20 =	sshll.u32 s31, $0x4;
	v1 =	vnsel vm2, $0x0, v3;
	[tilespmem:s19+$0x2800] =	vst v4  }
0x26: {  	s20 =	sadd.s32 $0x0, s20;
	[tilespmem:s19+$0x2980] =	vst v1;
	v1 =	vsel vm0, $0x3F800000, v0  }
0x27: {  	s20 =	sor.u32 $0x380, s20;
	[tilespmem:s19+$0x2A00] =	vst v1;
	v1 =	vsel vm1, $0x3F800000, v0  }
0x28: {  	v2 =	vsel vm2, $0x3F800000, v0;
	[tilespmem:s20+$0x2700] =	vst v1  }
0x29: {  	s20 =	simm.s32 $0x1A10;
	[tilespmem:s19+$0x8F00] =	vst v2  }
0x2a: {  	s21 =	simm.s32 $0x10;
	v3 =	vld [tilespmem:s20+$0x0]  }
0x2b: {  	s22 =	simm.s32 $0xD10;
	v2 =	vld [tilespmem:s21+$0x0]  }
0x2c: {  	v1 =	vld [tilespmem:s22+$0x0];
	_ =	sdelay $0x1  }
0x2d: {  	s19 =	simm.s32 $0x80  }
0x2e: {  	s23 =	sand.u32 $0x70, s21;
	s24 =	sand.u32 $0x3C00, s19;
	vm0 =	veq.s32 v3, $0x1  }
0x2f: {  	s23 =	sor.u32 s23, s24;
	v4 =	vnsel vm0, $0x0, v2  }
0x30: {  	vm1 =	veq.s32 v3, $0x2;
	[tilespmem:s23+$0x2700] =	vst v4;
	v4 =	vnsel vm0, $0x0, v1  }
0x31: {  	s25 =	simm.s32 $0x20;
	s24 =	simm.s32 $0x0;
	[tilespmem:s23+$0x2780] =	vst v4;
	v4 =	vnsel vm1, $0x0, v2  }
.LBB2_2:
0x32: {  	p0 =	sne.s32 s25, $0x670;
	vm2 =	veq.s32 v3, $0x3;
	[tilespmem:s23+$0x2800] =	vst v4;
	v3 =	vnsel vm1, $0x0, v1;
	s24 =	sadd.s32 $0x1, s24  }
0x33: {  	s26 =	sand.u32 $0x7, s24;
	[tilespmem:s23+$0x2880] =	vst v3;
	v2 =	vnsel vm2, $0x0, v2;
	v3 =	vsel vm2, $0x3F800000, v0  }
0x34: {  	v1 =	vnsel vm2, $0x0, v1;
	s26 =	sshll.u32 s26, $0x4;
	[tilespmem:s23+$0x2900] =	vst v2  }
0x35: {  	s26 =	sadd.s32 s26, s19;
	[tilespmem:s23+$0x2980] =	vst v1;
	v1 =	vsel vm0, $0x3F800000, v0  }
0x36: {  	[tilespmem:s23+$0x2A00] =	vst v1;
	v1 =	vsel vm1, $0x3F800000, v0;
	s26 =	sor.u32 $0x380, s26  }
0x37: {  	[tilespmem:s26+$0x2700] =	vst v1  }
0x38: {  	s20 =	sadd.s32 $0x10, s20;
	[tilespmem:s23+$0x8F00] =	vst v3  }
0x39: {  	s21 =	sadd.s32 $0x10, s21;
	v3 =	vld [tilespmem:s20+$0x0]  }
0x3a: {  	s22 =	sadd.s32 $0x10, s22;
	v2 =	vld [tilespmem:s21+$0x0]  }
0x3b: {  	v1 =	vld [tilespmem:s22+$0x0];
	_ =	sdelay $0x1  }
.Ltmp0:
0x3c: {  	s19 =	sadd.s32 $0x80, s19;
	(pc) =	sbr.rel @p0 .LBB2_2-.Ltmp0, $4  }
0x3d: {  	s26 =	sand.u32 $0x3C00, s19;
	s23 =	sand.u32 $0x70, s25;
	vm0 =	veq.s32 v3, $0x1  }
0x3e: {  	s23 =	sor.u32 s23, s26;
	v4 =	vnsel vm0, $0x0, v2  }
0x3f: {  	vm1 =	veq.s32 v3, $0x2;
	[tilespmem:s23+$0x2700] =	vst v4;
	v4 =	vnsel vm0, $0x0, v1  }
0x40: {  	s25 =	sadd.s32 $0x10, s25;
	[tilespmem:s23+$0x2780] =	vst v4;
	v4 =	vnsel vm1, $0x0, v2  }
0x41: {  	vm2 =	veq.s32 v3, $0x3;
	[tilespmem:s23+$0x2800] =	vst v4;
	v3 =	vnsel vm1, $0x0, v1;
	s20 =	sadd.s32 $0x1, s24  }
0x42: {  	s20 =	sand.u32 $0x7, s20;
	[tilespmem:s23+$0x2880] =	vst v3;
	v2 =	vnsel vm2, $0x0, v2  }
0x43: {  	v1 =	vnsel vm2, $0x0, v1;
	s20 =	sshll.u32 s20, $0x4;
	[tilespmem:s23+$0x2900] =	vst v2  }
0x44: {  	[tilespmem:s23+$0x2980] =	vst v1;
	v1 =	vsel vm0, $0x3F800000, v0;
	s19 =	sadd.s32 s20, s19  }
0x45: {  	[tilespmem:s23+$0x2A00] =	vst v1;
	v1 =	vsel vm1, $0x3F800000, v0;
	s19 =	sor.u32 $0x380, s19  }
0x46: {  	v2 =	vsel vm2, $0x3F800000, v0;
	[tilespmem:s19+$0x2700] =	vst v1  }
0x47: {  	s19 =	simm.s32 $0x0;
	[tilespmem:s23+$0x8F00] =	vst v2  }
0x48: {  	[hbm4b:s6+s19] =	stream.linear.scatter [tilespmem:s14], [sflag:$0x1], $0x3400, $0x38;
	[tilespmem:$0xF700] =	vst v63  }
0x49: {  	s25 =	sadd.s32 $0x1A000, s6;
	s26 =	simm.s32 $0x2080  }
0x4a: {  	[hbm4b:s25+s19] =	stream.linear.scatter [tilespmem:s15], [sflag:$0x1], $0x3400, $0x38;
	[tilespmem:$0xF700] =	vst v63  }
0x4b: {  	s21 =	simm.s32 $0x680;
	v1 =	vld [tilespmem:s26+$0x0]  }
0x4c: {  	s28 =	simm.s32 $0x1380;
	v2 =	vld [tilespmem:s21+$0x0]  }
0x4d: {  	v3 =	vld [tilespmem:s28+$0x0];
	_ =	sdelay $0x1  }
0x4e: {  	s29 =	simm.s32 $0x3400  }
0x4f: {  	s20 =	sand.u32 $0x7C00, s29;
	s21 =	sand.u32 $0x70, s21;
	vm0 =	veq.s32 v1, $0x1  }
0x50: {  	s20 =	sor.u32 s21, s20;
	vm1 =	veq.s32 v1, $0x2;
	v4 =	vnsel vm0, $0x0, v2  }
0x51: {  	vm2 =	veq.s32 v1, $0x3;
	v1 =	vnsel vm1, $0x0, v3;
	[tilespmem:s20+$0x2700] =	vst v4  }
0x52: {  	v4 =	vnsel vm0, $0x0, v3;
	[tilespmem:s20+$0x2880] =	vst v1  }
0x53: {  	v1 =	vnsel vm2, $0x0, v2;
	[tilespmem:s20+$0x2780] =	vst v4  }
0x54: {  	s30 =	sand.u32 $0x7, s19;
	v4 =	vnsel vm1, $0x0, v2;
	[tilespmem:s20+$0x2900] =	vst v1  }
0x55: {  	s21 =	sshll.u32 s30, $0x4;
	v1 =	vnsel vm2, $0x0, v3;
	[tilespmem:s20+$0x2800] =	vst v4  }
0x56: {  	s21 =	sadd.s32 $0x3400, s21;
	[tilespmem:s20+$0x2980] =	vst v1;
	v1 =	vsel vm0, $0x3F800000, v0  }
0x57: {  	s21 =	sor.u32 $0x380, s21;
	[tilespmem:s20+$0x2A00] =	vst v1;
	v1 =	vsel vm1, $0x3F800000, v0  }
0x58: {  	v2 =	vsel vm2, $0x3F800000, v0;
	[tilespmem:s21+$0x2700] =	vst v1  }
0x59: {  	s21 =	simm.s32 $0x2090;
	[tilespmem:s20+$0x8F00] =	vst v2  }
0x5a: {  	s22 =	simm.s32 $0x690;
	v3 =	vld [tilespmem:s21+$0x0]  }
0x5b: {  	s23 =	simm.s32 $0x1390;
	v2 =	vld [tilespmem:s22+$0x0]  }
0x5c: {  	v1 =	vld [tilespmem:s23+$0x0];
	_ =	sdelay $0x1  }
0x5d: {  	s20 =	simm.s32 $0x3480  }
0x5e: {  	s31 =	sand.u32 $0x70, s22;
	s25 =	sand.u32 $0x7C00, s20;
	vm0 =	veq.s32 v3, $0x1  }
0x5f: {  	s24 =	sor.u32 s31, s25;
	v4 =	vnsel vm0, $0x0, v2  }
0x60: {  	vm1 =	veq.s32 v3, $0x2;
	[tilespmem:s24+$0x2700] =	vst v4;
	v4 =	vnsel vm0, $0x0, v1  }
0x61: {  	s25 =	simm.s32 $0x6A0;
	[tilespmem:s24+$0x2780] =	vst v4;
	v4 =	vnsel vm1, $0x0, v2  }
.LBB2_4:
0x62: {  	p0 =	sne.s32 s25, $0xCF0;
	vm2 =	veq.s32 v3, $0x3;
	[tilespmem:s24+$0x2800] =	vst v4;
	v3 =	vnsel vm1, $0x0, v1;
	s19 =	sadd.s32 $0x1, s19  }
0x63: {  	s26 =	sand.u32 $0x7, s19;
	[tilespmem:s24+$0x2880] =	vst v3;
	v2 =	vnsel vm2, $0x0, v2;
	v3 =	vsel vm2, $0x3F800000, v0  }
0x64: {  	v1 =	vnsel vm2, $0x0, v1;
	s26 =	sshll.u32 s26, $0x4;
	[tilespmem:s24+$0x2900] =	vst v2  }
0x65: {  	s26 =	sadd.s32 s26, s20;
	[tilespmem:s24+$0x2980] =	vst v1;
	v1 =	vsel vm0, $0x3F800000, v0  }
0x66: {  	[tilespmem:s24+$0x2A00] =	vst v1;
	v1 =	vsel vm1, $0x3F800000, v0;
	s26 =	sor.u32 $0x380, s26  }
0x67: {  	[tilespmem:s26+$0x2700] =	vst v1  }
0x68: {  	s21 =	sadd.s32 $0x10, s21;
	[tilespmem:s24+$0x8F00] =	vst v3  }
0x69: {  	s22 =	sadd.s32 $0x10, s22;
	v3 =	vld [tilespmem:s21+$0x0]  }
0x6a: {  	s23 =	sadd.s32 $0x10, s23;
	v2 =	vld [tilespmem:s22+$0x0]  }
0x6b: {  	v1 =	vld [tilespmem:s23+$0x0];
	_ =	sdelay $0x1  }
.Ltmp1:
0x6c: {  	s20 =	sadd.s32 $0x80, s20;
	(pc) =	sbr.rel @p0 .LBB2_4-.Ltmp1, $4  }
0x6d: {  	s26 =	sand.u32 $0x7C00, s20;
	s24 =	sand.u32 $0x70, s25;
	vm0 =	veq.s32 v3, $0x1  }
0x6e: {  	s24 =	sor.u32 s24, s26;
	v4 =	vnsel vm0, $0x0, v2  }
0x6f: {  	vm1 =	veq.s32 v3, $0x2;
	[tilespmem:s24+$0x2700] =	vst v4;
	v4 =	vnsel vm0, $0x0, v1  }
0x70: {  	s25 =	sadd.s32 $0x10, s25;
	[tilespmem:s24+$0x2780] =	vst v4;
	v4 =	vnsel vm1, $0x0, v2  }
0x71: {  	vm2 =	veq.s32 v3, $0x3;
	[tilespmem:s24+$0x2800] =	vst v4;
	v3 =	vnsel vm1, $0x0, v1;
	s19 =	sadd.s32 $0x1, s19  }
0x72: {  	s19 =	sand.u32 $0x7, s19;
	[tilespmem:s24+$0x2880] =	vst v3;
	v2 =	vnsel vm2, $0x0, v2  }
0x73: {  	v1 =	vnsel vm2, $0x0, v1;
	s19 =	sshll.u32 s19, $0x4;
	[tilespmem:s24+$0x2900] =	vst v2  }
0x74: {  	[tilespmem:s24+$0x2980] =	vst v1;
	v1 =	vsel vm0, $0x3F800000, v0;
	s19 =	sadd.s32 s19, s20  }
0x75: {  	[tilespmem:s24+$0x2A00] =	vst v1;
	v1 =	vsel vm1, $0x3F800000, v0;
	s19 =	sor.u32 $0x380, s19  }
0x76: {  	v2 =	vsel vm2, $0x3F800000, v0;
	[tilespmem:s19+$0x2700] =	vst v1  }
0x77: {  	[tilespmem:s24+$0x8F00] =	vst v2  }
0x78: {  	[hbm4b:s7+s2] =	stream.linear.scatter [tilespmem:s16], [sflag:$0x2], $0x3400, $0x38;
	[tilespmem:$0xF700] =	vst v63  }
0x79: {  	s31 =	sadd.s32 $0x1A000, s7;
	s18 =	sadd.s32 $0x1, s18  }
0x7a: {  	[hbm4b:s31+s2] =	stream.linear.scatter [tilespmem:s17], [sflag:$0x2], $0x3400, $0x38;
	[tilespmem:$0xF700] =	vst v63  }
0x7b: {  	p0 =	sne.s32 s18, s8;
	_ =	swait.ge [sflag:s11], $0x6800  }
.Ltmp2:
0x7c: {  	[sflag:s11] =	ssyncset.done $0x0;
	(pc) =	sbr.rel @p0 .LBB2_1-.Ltmp2, $4  }
0x7d: {  	[sflag:s11] =	ssyncadd.s32 $0xFFFF9800  }
0x7e: {  	_ =	swait.ge [sflag:s12], $0x6800  }
0x7f: {  	[sflag:s12] =	ssyncset.done $0x0  }
0x80: {  	[sflag:s12] =	ssyncadd.s32 $0xFFFF9800  }
0x81: {  	_ =	sfence.sel $0x180000  }
0x82: {  	[bflag:$0x0] =	sbarrier.arrive $0xFFFF  }
0x83: {  	p0 =	sne.s32 s0, $0x0;
	_ =	strace $0x90000047  }
0x84: {  	s0 =	sadd.s32 @!p0 $0x100000, s1;
	[bflag:$0x2] =	sbarrier.arrive $0xFFFF  }
0x85: {  	[sflag:s0] =	ssyncadd.tile.s32 @!p0 $0x1;
	_ =	shalt  }
.Lfunc_end2:
_tile_overlayer_lowered:
.L_overlay_start_2:
0x86: {  	(tag) =	ssettag $0x2  }
0x87: {  	s0 =	rddreg [dreg:$0x0];
	s2 =	stileid.u32  }
0x88: {  	s1 =	rddreg [dreg:$0x1];
	p0 =	sne.s32 s2, $0x0  }
0x89: {  	s3 =	rddreg [dreg:$0x2];
	[bflag:$0x3] =	sbarrier.arrive $0xFFFF;
	s2 =	simm.s32 @!p0 $0x1C04  }
0x8a: {  	[timem:s3], [sflag:s2] =	dma.local @!p0 [hbm:s0], s1  }
0x8b: {  	s0 =	simm.s32 @!p0 $0x4  }
0x8c: {  	_ =	swait.ge @!p0 [sflag:s0], s1  }
0x8d: {  	s1 =	ssub.s32 @!p0 $0x0, s1;
	[sflag:s0] =	ssyncset.done @!p0 $0x0  }
0x8e: {  	[sflag:s0] =	ssyncadd.s32 @!p0 s1  }
0x8f: {  	[bflag:$0x3] =	sbarrier.arrive $0xFFFF  }
0x90: {  	_ =	shalt  }

</sc_bundles>
